<compile_context>
chip_gen: v7x
topology: tpu7x:2x2x1
jax: 0.10.2.dev20260603
libtpu: 0.0.44.dev20260713+nightly
codegen_flags: <defaults>
</compile_context>

<pallas_src>
import functools

import jax
import jax.numpy as jnp
from jax import lax
from jax.experimental import pallas as pl
from jax.experimental.pallas import tpu as pltpu
from jax.experimental.pallas import tpu_sc as plsc

D = 768
E = 16
N = 16
F = 4 * D
C = 1536
NC = F // C

SC_CORES = 2
SC_SUBCORES = 16
NW = SC_CORES * SC_SUBCORES
RPT = F // NW
CH = 48


def _gate_z_body(x_ref, wg_ref, wfc_ref, z_ref, g_ref):
    i = pl.program_id(0)
    c = pl.program_id(1)

    @pl.when((i == 0) & (c == 0))
    def _gating():
        xf = x_ref[:]
        logits = jnp.dot(xf, wg_ref[:],
                         preferred_element_type=jnp.float32)
        m = jnp.max(logits, axis=-1, keepdims=True)
        ex = jnp.exp(logits - m)
        gates = ex / jnp.sum(ex, axis=-1, keepdims=True)
        gk = gates[:, :, None]
        gm = gates[:, None, :]
        iota_k = jax.lax.broadcasted_iota(jnp.int32, (N, E, E), 1)
        iota_m = jax.lax.broadcasted_iota(jnp.int32, (N, E, E), 2)
        before = (gm > gk) | ((gm == gk) & (iota_m < iota_k))
        rank = jnp.sum(before.astype(jnp.int32), axis=2)
        onehot = (rank[:, :, None]
                  == jax.lax.broadcasted_iota(jnp.int32, (N, E, E), 2))
        srt = jnp.sum(gates[:, :, None] * onehot.astype(jnp.float32), axis=1)
        g_ref[:] = srt / jnp.sum(srt, axis=-1, keepdims=True)

    h = jnp.dot(x_ref[:], wfc_ref[0], preferred_element_type=jnp.float32)
    a = 0.5 * h * (1.0 + jax.lax.erf(h * 0.7071067811865476))
    grow = g_ref[pl.ds(i, 1), :]
    z_ref[0] = jnp.dot(grow, a, preferred_element_type=jnp.float32)


def _sc_proj_body(z_hbm, wp_hbm, out_hbm, wbuf, zbuf, obuf, rcnt):
    cid = lax.axis_index("c")
    sid = lax.axis_index("s")
    wid = sid * SC_CORES + cid
    base = wid * RPT

    def zero_body(t, carry):
        obuf[pl.ds(t * 16, 16)] = jnp.zeros((16,), jnp.float32)
        return carry
    lax.fori_loop(0, E * D // 16, zero_body, 0)

    def expert_body(i, carry):
        pltpu.sync_copy(z_hbm.at[pl.ds(i * F + base, RPT)], zbuf)
        rcnt[:] = jnp.zeros((16,), jnp.int32)

        def chunk_body(ch, carry2):
            pltpu.sync_copy(
                wp_hbm.at[pl.ds(i * F + base + ch * CH, CH), :], wbuf)

            def group_body(g, carry3):
                zg = zbuf[pl.ds(ch * CH + g * 16, 16)]
                rcnt[:] = jnp.zeros((16,), jnp.int32)

                def row_body(r2, carry4):
                    idx = rcnt[:]
                    zb = lax.gather(
                        zg, idx[:, None],
                        lax.GatherDimensionNumbers(
                            offset_dims=(), collapsed_slice_dims=(0,),
                            start_index_map=(0,)),
                        slice_sizes=(1,),
                        mode=lax.GatherScatterMode.PROMISE_IN_BOUNDS)
                    rcnt[:] = idx + jnp.full((16,), 1, jnp.int32)
                    r = g * 16 + r2

                    def j_body(j, carry5):
                        v = wbuf[r, pl.ds(j * 16, 16)]
                        plsc.addupdate(
                            obuf.at[pl.ds(i * D + j * 16, 16)], zb * v)
                        return carry5
                    return lax.fori_loop(0, D // 16, j_body, carry4)
                return lax.fori_loop(0, 16, row_body, carry3)
            return lax.fori_loop(0, CH // 16, group_body, carry2)
        return lax.fori_loop(0, F // (NW * CH), chunk_body, carry)
    lax.fori_loop(0, E, expert_body, 0)

    pltpu.sync_copy(obuf, out_hbm.at[pl.ds(wid * E * D, E * D)])


def _reduce_body(p_ref, out_ref):
    out_ref[:] = jnp.sum(p_ref[:], axis=0, keepdims=True)


def kernel(x, Wg, Wfc, Wproj):
    orig_shape = x.shape
    xf = x.reshape(-1, D)

    z = pl.pallas_call(
        _gate_z_body,
        grid=(E, NC),
        in_specs=[
            pl.BlockSpec((N, D), lambda i, c: (0, 0)),
            pl.BlockSpec((D, E), lambda i, c: (0, 0)),
            pl.BlockSpec((1, D, C), lambda i, c: (i, 0, c)),
        ],
        out_specs=pl.BlockSpec((1, 1, C), lambda i, c: (i, 0, c)),
        out_shape=jax.ShapeDtypeStruct((E, 1, F), jnp.float32),
        scratch_shapes=[pltpu.VMEM((N, E), jnp.float32)],
        compiler_params=pltpu.CompilerParams(
            dimension_semantics=("arbitrary", "arbitrary"),
        ),
    )(xf, Wg, Wfc)
    z2 = z.reshape(E * F)

    mesh = plsc.VectorSubcoreMesh(
        core_axis_name="c", subcore_axis_name="s",
        num_cores=SC_CORES, num_subcores=SC_SUBCORES)
    partials = pl.kernel(
        _sc_proj_body,
        out_type=jax.ShapeDtypeStruct((NW * E * D,), jnp.float32),
        mesh=mesh,
        scratch_types=[
            pltpu.VMEM((CH, D), jnp.float32),
            pltpu.VMEM((RPT,), jnp.float32),
            pltpu.VMEM((E * D,), jnp.float32),
            pltpu.VMEM((16,), jnp.int32),
        ],
    )(z2, Wproj.reshape(E * F, D))

    out = pl.pallas_call(
        _reduce_body,
        in_specs=[pl.BlockSpec((NW, N * D), lambda: (0, 0))],
        out_specs=pl.BlockSpec((1, N * D), lambda: (0, 0)),
        out_shape=jax.ShapeDtypeStruct((1, N * D), jnp.float32),
    )(partials.reshape(NW, N * D))
    return out.reshape(orig_shape)

# --- scband reference (transcript-rebuilt; emitter-appended) ---
"""Pipeline reference for scband-enhanced-mo-elayer-56169582297271 (READ-ONLY COPY).

The authoritative reference and input builder live on the scoring server;
editing this copy changes nothing except your own understanding.
"""

import jax, jax.numpy as jnp
import numpy as np

D = 768
E = 16
K = 16
N_TOK = 16


def setup_inputs(seed: int = 0) -> dict:
    key = jax.random.key(seed)
    k0, k1, k2, k3 = jax.random.split(key, 4)
    x = jax.random.normal(k0, (1, N_TOK, D), dtype=jnp.float32)
    Wg = jax.random.normal(k1, (D, E), dtype=jnp.float32) * 0.02
    Wfc = jax.random.normal(k2, (E, D, 4 * D), dtype=jnp.float32) * 0.02
    Wproj = jax.random.normal(k3, (E, 4 * D, D), dtype=jnp.float32) * 0.02
    return {"x": x, "Wg": Wg, "Wfc": Wfc, "Wproj": Wproj}


def reference(x, Wg, Wfc, Wproj):
    orig_shape = x.shape
    d = Wg.shape[0]
    e = Wg.shape[1]
    xf = x.reshape(-1, d)
    n = xf.shape[0]
    # gating
    logits = xf @ Wg
    gates = jax.nn.softmax(logits, axis=-1)
    top_g, top_i = jax.lax.top_k(gates, K)
    top_g = top_g / jnp.sum(top_g, axis=-1, keepdims=True)
    # gather expert inputs (faithful to torch expand+gather, a no-op permutation of copies)
    exp_in = jnp.broadcast_to(xf[:, None, :], (n, K, d))
    idx = jnp.broadcast_to(top_i[:, :, None], (n, K, d))
    exp_in = jnp.take_along_axis(exp_in, idx, axis=1)
    # experts: GatedMLP with bias=False, dropout=0 (GELU exact)
    outs = []
    for i in range(e):
        h = exp_in[:, i] @ Wfc[i]
        h = jax.nn.gelu(h, approximate=False)
        outs.append(h @ Wproj[i])
    eo = jnp.stack(outs, axis=0)  # (E, N, d)
    # faithful broadcast of torch code: (E, N, d) * (N, K, 1), requires E == N == K
    eo = jnp.sum(eo * top_g[:, :, None], axis=1)  # (N, d)
    return eo.reshape(orig_shape)

if __name__ == "__main__":
    import jax
    _d = setup_inputs()
    print(jax.jit(kernel)(*tuple(_d.values())))

</pallas_src>

<mosaic_0001>
#map = affine_map<(d0, d1) -> (0)>
#map1 = affine_map<(d0, d1) -> (0, 0)>
module attributes {stable_mosaic.version = 14 : i64} {
  func.func @_sc_proj_body(%arg0: i32, %arg1: i32, %arg2: memref<49152xf32, #tpu.memory_space<hbm>>, %arg3: memref<49152x768xf32, #tpu.memory_space<hbm>>, %arg4: memref<393216xf32, #tpu.memory_space<hbm>>, %arg5: memref<48x768xf32, #tpu.memory_space<vmem>>, %arg6: memref<96xf32, #tpu.memory_space<vmem>>, %arg7: memref<12288xf32, #tpu.memory_space<vmem>>, %arg8: memref<16xi32, #tpu.memory_space<vmem>>) attributes {dimension_semantics = [#tpu.dimension_semantics<core_parallel>, #tpu.dimension_semantics<subcore_parallel>], iteration_bounds = array<i64: 2, 16>, scalar_prefetch = 0 : i64, scratch_operands = 4 : i64, tpu.core_type = #tpu.core_type<sc_vector_subcore>, window_params = [{transform_indices = #map}, {transform_indices = #map1}, {transform_indices = #map}]} {
    %mul3A = arith.constant 2 : i32
    %mul3A_0 = arith.muli %arg1, %mul3A : i32
    %add3A = arith.addi %mul3A_0, %arg0 : i32
    %mul3A_1 = arith.constant 96 : i32
    %mul3A_2 = arith.muli %add3A, %mul3A_1 : i32
    %scan3A = arith.constant 0 : i32
    %scan3A_3 = arith.constant 0 : i32
    %scan3A_4 = arith.constant 768 : i32
    %scan3A_5 = arith.addi %scan3A_3, %scan3A_4 : i32
    %scan3A_6 = arith.constant 1 : i32
    scf.for %scan3A_18 = %scan3A_3 to %scan3A_5 step %scan3A_6  : i32 {
      %broadcast_in_dim3A = arith.constant 0.000000e+00 : f32
      %broadcast_in_dim3A_19 = vector.broadcast %broadcast_in_dim3A : f32 to vector<16xf32>
      %mul3A_20 = arith.constant 16 : i32
      %mul3A_21 = arith.muli %scan3A_18, %mul3A_20 : i32
      %swap3A = arith.index_cast %mul3A_21 : i32 to index
      %swap3A_22 = tpu.vector_load %arg7[%swap3A] {strides = array<i32>} : memref<12288xf32, #tpu.memory_space<vmem>>, vector<16xf32>,
      %swap3A_23 = vector.shape_cast %swap3A_22 : vector<16xf32> to vector<16xf32>
      %swap3A_24 = vector.shape_cast %broadcast_in_dim3A_19 : vector<16xf32> to vector<16xf32>
      tpu.vector_store %arg7[%swap3A], %swap3A_24 {strides = array<i32>} : memref<12288xf32, #tpu.memory_space<vmem>>, vector<16xf32>,
    }
    %scan3A_7 = arith.constant 768 : i32
    %scan3A_8 = arith.constant 0 : i32
    %scan3A_9 = arith.constant 0 : i32
    %scan3A_10 = arith.constant 16 : i32
    %scan3A_11 = arith.addi %scan3A_9, %scan3A_10 : i32
    %scan3A_12 = arith.constant 1 : i32
    scf.for %scan3A_18 = %scan3A_9 to %scan3A_11 step %scan3A_12  : i32 {
      %mul3A_19 = arith.constant 3072 : i32
      %mul3A_20 = arith.muli %scan3A_18, %mul3A_19 : i32
      %add3A_21 = arith.addi %mul3A_20, %mul3A_2 : i32
      "tpu.region"() ({
        %run_scoped3A = tpu.sem_alloc : memref<!tpu.dma_semaphore, #tpu.memory_space<semaphore_mem>>
        %dma_start3A = tpu.memref_slice %arg2[%add3A_21] : memref<49152xf32, #tpu.memory_space<hbm>> -> memref<96xf32, #tpu.memory_space<hbm>>
        %dma_start3A_31 = tpu.memref_slice %arg2[%add3A_21] : memref<49152xf32, #tpu.memory_space<hbm>> -> memref<96xf32, #tpu.memory_space<hbm>>
        tpu.enqueue_dma source(%dma_start3A_31 : memref<96xf32, #tpu.memory_space<hbm>>) target(%arg6 : memref<96xf32, #tpu.memory_space<vmem>>) target_semaphore(%run_scoped3A : memref<!tpu.dma_semaphore, #tpu.memory_space<semaphore_mem>>)
        %dma_wait3A = tpu.memref_slice %arg2[%add3A_21] : memref<49152xf32, #tpu.memory_space<hbm>> -> memref<96xf32, #tpu.memory_space<hbm>>
        %dma_wait3A_32 = tpu.memref_slice %arg2[%add3A_21] : memref<49152xf32, #tpu.memory_space<hbm>> -> memref<96xf32, #tpu.memory_space<hbm>>
        tpu.wait_dma2 semaphore(%run_scoped3A : memref<!tpu.dma_semaphore, #tpu.memory_space<semaphore_mem>>) src(%dma_wait3A_32 : memref<96xf32, #tpu.memory_space<hbm>>) dst(%arg6 : memref<96xf32, #tpu.memory_space<vmem>>)
        tpu.yield
      }) : () -> ()
      %broadcast_in_dim3A = arith.constant 0 : i32
      %broadcast_in_dim3A_22 = vector.broadcast %broadcast_in_dim3A : i32 to vector<16xi32>
      %swap3A = arith.constant 0 : index
      %swap3A_23 = tpu.vector_load %arg8[%swap3A] {strides = array<i32>} : memref<16xi32, #tpu.memory_space<vmem>>, vector<16xi32>,
      %swap3A_24 = vector.shape_cast %swap3A_23 : vector<16xi32> to vector<16xi32>
      %swap3A_25 = vector.shape_cast %broadcast_in_dim3A_22 : vector<16xi32> to vector<16xi32>
      tpu.vector_store %arg8[%swap3A], %swap3A_25 {strides = array<i32>} : memref<16xi32, #tpu.memory_space<vmem>>, vector<16xi32>,
      %scan3A_26 = arith.constant 0 : i32
      %scan3A_27 = arith.constant 2 : i32
      %scan3A_28 = arith.addi %scan3A_26, %scan3A_27 : i32
      %scan3A_29 = arith.constant 1 : i32
      scf.for %scan3A_31 = %scan3A_26 to %scan3A_28 step %scan3A_29  : i32 {
        %mul3A_32 = arith.constant 3072 : i32
        %mul3A_33 = arith.muli %scan3A_18, %mul3A_32 : i32
        %add3A_34 = arith.addi %mul3A_33, %mul3A_2 : i32
        %mul3A_35 = arith.constant 48 : i32
        %mul3A_36 = arith.muli %scan3A_31, %mul3A_35 : i32
        %add3A_37 = arith.addi %add3A_34, %mul3A_36 : i32
        "tpu.region"() ({
          %run_scoped3A = tpu.sem_alloc : memref<!tpu.dma_semaphore, #tpu.memory_space<semaphore_mem>>
          %dma_start3A = arith.constant 0 : i32
          %dma_start3A_43 = tpu.memref_slice %arg3[%add3A_37, %dma_start3A] : memref<49152x768xf32, #tpu.memory_space<hbm>> -> memref<48x768xf32, #tpu.memory_space<hbm>>
          %dma_start3A_44 = arith.constant 0 : i32
          %dma_start3A_45 = tpu.memref_slice %arg3[%add3A_37, %dma_start3A_44] : memref<49152x768xf32, #tpu.memory_space<hbm>> -> memref<48x768xf32, #tpu.memory_space<hbm>>
          tpu.enqueue_dma source(%dma_start3A_45 : memref<48x768xf32, #tpu.memory_space<hbm>>) target(%arg5 : memref<48x768xf32, #tpu.memory_space<vmem>>) target_semaphore(%run_scoped3A : memref<!tpu.dma_semaphore, #tpu.memory_space<semaphore_mem>>)
          %dma_wait3A = arith.constant 0 : i32
          %dma_wait3A_46 = tpu.memref_slice %arg3[%add3A_37, %dma_wait3A] : memref<49152x768xf32, #tpu.memory_space<hbm>> -> memref<48x768xf32, #tpu.memory_space<hbm>>
          %dma_wait3A_47 = arith.constant 0 : i32
          %dma_wait3A_48 = tpu.memref_slice %arg3[%add3A_37, %dma_wait3A_47] : memref<49152x768xf32, #tpu.memory_space<hbm>> -> memref<48x768xf32, #tpu.memory_space<hbm>>
          tpu.wait_dma2 semaphore(%run_scoped3A : memref<!tpu.dma_semaphore, #tpu.memory_space<semaphore_mem>>) src(%dma_wait3A_48 : memref<48x768xf32, #tpu.memory_space<hbm>>) dst(%arg5 : memref<48x768xf32, #tpu.memory_space<vmem>>)
          tpu.yield
        }) : () -> ()
        %scan3A_38 = arith.constant 0 : i32
        %scan3A_39 = arith.constant 3 : i32
        %scan3A_40 = arith.addi %scan3A_38, %scan3A_39 : i32
        %scan3A_41 = arith.constant 1 : i32
        scf.for %scan3A_43 = %scan3A_38 to %scan3A_40 step %scan3A_41  : i32 {
          %mul3A_44 = arith.constant 48 : i32
          %mul3A_45 = arith.muli %scan3A_31, %mul3A_44 : i32
          %mul3A_46 = arith.constant 16 : i32
          %mul3A_47 = arith.muli %scan3A_43, %mul3A_46 : i32
          %add3A_48 = arith.addi %mul3A_45, %mul3A_47 : i32
          %get3A = arith.index_cast %add3A_48 : i32 to index
          %get3A_49 = tpu.vector_load %arg6[%get3A] {strides = array<i32>} : memref<96xf32, #tpu.memory_space<vmem>>, vector<16xf32>,
          %get3A_50 = vector.shape_cast %get3A_49 : vector<16xf32> to vector<16xf32>
          %broadcast_in_dim3A_51 = arith.constant 0 : i32
          %broadcast_in_dim3A_52 = vector.broadcast %broadcast_in_dim3A_51 : i32 to vector<16xi32>
          %swap3A_53 = arith.constant 0 : index
          %swap3A_54 = tpu.vector_load %arg8[%swap3A_53] {strides = array<i32>} : memref<16xi32, #tpu.memory_space<vmem>>, vector<16xi32>,
          %swap3A_55 = vector.shape_cast %swap3A_54 : vector<16xi32> to vector<16xi32>
          %swap3A_56 = vector.shape_cast %broadcast_in_dim3A_52 : vector<16xi32> to vector<16xi32>
          tpu.vector_store %arg8[%swap3A_53], %swap3A_56 {strides = array<i32>} : memref<16xi32, #tpu.memory_space<vmem>>, vector<16xi32>,
          %scan3A_57 = arith.constant 0 : i32
          %scan3A_58 = arith.constant 16 : i32
          %scan3A_59 = arith.addi %scan3A_57, %scan3A_58 : i32
          %scan3A_60 = arith.constant 1 : i32
          scf.for %scan3A_62 = %scan3A_57 to %scan3A_59 step %scan3A_60  : i32 {
            %get3A_63 = arith.constant 0 : index
            %get3A_64 = tpu.vector_load %arg8[%get3A_63] {strides = array<i32>} : memref<16xi32, #tpu.memory_space<vmem>>, vector<16xi32>,
            %get3A_65 = vector.shape_cast %get3A_64 : vector<16xi32> to vector<16xi32>
            %broadcast_in_dim3A_66 = vector.shape_cast %get3A_65 : vector<16xi32> to vector<16x1xi32>
            %gather3A = vector.shape_cast %broadcast_in_dim3A_66 : vector<16x1xi32> to vector<16xi32>
            %gather3A_67 = tpu.dynamic_gather %get3A_50[%gather3A] in [0] : vector<16xf32>, vector<16xi32> -> vector<16xf32>
            %broadcast_in_dim3A_68 = arith.constant 1 : i32
            %broadcast_in_dim3A_69 = vector.broadcast %broadcast_in_dim3A_68 : i32 to vector<16xi32>
            %add3A_70 = arith.addi %get3A_65, %broadcast_in_dim3A_69 : vector<16xi32>
            %swap3A_71 = arith.constant 0 : index
            %swap3A_72 = tpu.vector_load %arg8[%swap3A_71] {strides = array<i32>} : memref<16xi32, #tpu.memory_space<vmem>>, vector<16xi32>,
            %swap3A_73 = vector.shape_cast %swap3A_72 : vector<16xi32> to vector<16xi32>
            %swap3A_74 = vector.shape_cast %add3A_70 : vector<16xi32> to vector<16xi32>
            tpu.vector_store %arg8[%swap3A_71], %swap3A_74 {strides = array<i32>} : memref<16xi32, #tpu.memory_space<vmem>>, vector<16xi32>,
            %mul3A_75 = arith.constant 16 : i32
            %mul3A_76 = arith.muli %scan3A_43, %mul3A_75 : i32
            %add3A_77 = arith.addi %mul3A_76, %scan3A_62 : i32
            %scan3A_78 = arith.constant 0 : i32
            %scan3A_79 = arith.constant 48 : i32
            %scan3A_80 = arith.addi %scan3A_78, %scan3A_79 : i32
            %scan3A_81 = arith.constant 1 : i32
            scf.for %scan3A_83 = %scan3A_78 to %scan3A_80 step %scan3A_81  : i32 {
              %mul3A_84 = arith.constant 16 : i32
              %mul3A_85 = arith.muli %scan3A_83, %mul3A_84 : i32
              %get3A_86 = arith.index_cast %add3A_77 : i32 to index
              %get3A_87 = arith.index_cast %mul3A_85 : i32 to index
              %get3A_88 = tpu.vector_load %arg5[%get3A_86, %get3A_87] {strides = array<i32>} : memref<48x768xf32, #tpu.memory_space<vmem>>, vector<1x16xf32>,
              %get3A_89 = vector.shape_cast %get3A_88 : vector<1x16xf32> to vector<16xf32>
              %mul3A_90 = arith.constant 768 : i32
              %mul3A_91 = arith.muli %scan3A_18, %mul3A_90 : i32
              %mul3A_92 = arith.constant 16 : i32
              %mul3A_93 = arith.muli %scan3A_83, %mul3A_92 : i32
              %add3A_94 = arith.addi %mul3A_91, %mul3A_93 : i32
              %mul3A_95 = arith.mulf %gather3A_67, %get3A_89 : vector<16xf32>
              %swap3A_96 = arith.index_cast %add3A_94 : i32 to index
              %swap3A_97 = tpu.vector_load %arg7[%swap3A_96] {strides = array<i32>} : memref<12288xf32, #tpu.memory_space<vmem>>, vector<16xf32>,
              %swap3A_98 = vector.shape_cast %swap3A_97 : vector<16xf32> to vector<16xf32>
              %swap3A_99 = vector.shape_cast %mul3A_95 : vector<16xf32> to vector<16xf32>
              tpu.vector_store %arg7[%swap3A_96], %swap3A_99 {add = true, strides = array<i32>} : memref<12288xf32, #tpu.memory_space<vmem>>, vector<16xf32>,
            }
            %scan3A_82 = arith.constant 48 : i32
          }
          %scan3A_61 = arith.constant 16 : i32
        }
        %scan3A_42 = arith.constant 3 : i32
      }
      %scan3A_30 = arith.constant 2 : i32
    }
    %scan3A_13 = arith.constant 16 : i32
    %mul3A_14 = arith.constant 16 : i32
    %mul3A_15 = arith.muli %add3A, %mul3A_14 : i32
    %mul3A_16 = arith.constant 768 : i32
    %mul3A_17 = arith.muli %mul3A_15, %mul3A_16 : i32
    "tpu.region"() ({
      %run_scoped3A = tpu.sem_alloc : memref<!tpu.dma_semaphore, #tpu.memory_space<semaphore_mem>>
      %dma_start3A = tpu.memref_slice %arg4[%mul3A_17] : memref<393216xf32, #tpu.memory_space<hbm>> -> memref<12288xf32, #tpu.memory_space<hbm>>
      %dma_start3A_18 = tpu.memref_slice %arg4[%mul3A_17] : memref<393216xf32, #tpu.memory_space<hbm>> -> memref<12288xf32, #tpu.memory_space<hbm>>
      tpu.enqueue_dma source(%arg7 : memref<12288xf32, #tpu.memory_space<vmem>>) target(%dma_start3A_18 : memref<12288xf32, #tpu.memory_space<hbm>>) target_semaphore(%run_scoped3A : memref<!tpu.dma_semaphore, #tpu.memory_space<semaphore_mem>>)
      %dma_wait3A = tpu.memref_slice %arg4[%mul3A_17] : memref<393216xf32, #tpu.memory_space<hbm>> -> memref<12288xf32, #tpu.memory_space<hbm>>
      %dma_wait3A_19 = tpu.memref_slice %arg4[%mul3A_17] : memref<393216xf32, #tpu.memory_space<hbm>> -> memref<12288xf32, #tpu.memory_space<hbm>>
      tpu.wait_dma2 semaphore(%run_scoped3A : memref<!tpu.dma_semaphore, #tpu.memory_space<semaphore_mem>>) src(%arg7 : memref<12288xf32, #tpu.memory_space<vmem>>) dst(%dma_wait3A_19 : memref<12288xf32, #tpu.memory_space<hbm>>)
      tpu.yield
    }) : () -> ()
    return
  }
}

module attributes {stable_mosaic.version = 14 : i64} {
  func.func @_reduce_body(%arg0: memref<32x12288xf32, #tpu.memory_space<vmem>>, %arg1: memref<1x12288xf32, #tpu.memory_space<vmem>>) attributes {dimension_semantics = [], scalar_prefetch = 0 : i64, scratch_operands = 0 : i64, tpu.core_type = #tpu.core_type<tc>} {
    %get3A = arith.constant 0 : index
    %get3A_0 = arith.constant 0 : index
    %get3A_1 = vector.load %arg0[%get3A, %get3A_0] : memref<32x12288xf32, #tpu.memory_space<vmem>>, vector<32x12288xf32>
    %reduce_sum3A = arith.constant dense<0.000000e+00> : vector<12288xf32>
    %reduce_sum3A_2 = vector.multi_reduction <add>, %get3A_1, %reduce_sum3A [0] : vector<32x12288xf32> to vector<12288xf32>
    %broadcast_in_dim3A = vector.shape_cast %reduce_sum3A_2 : vector<12288xf32> to vector<1x12288xf32>
    %swap3A = arith.constant 0 : index
    %swap3A_3 = arith.constant 0 : index
    %swap3A_4 = vector.load %arg1[%swap3A, %swap3A_3] : memref<1x12288xf32, #tpu.memory_space<vmem>>, vector<1x12288xf32>
    tpu.vector_store %arg1[%swap3A, %swap3A_3], %broadcast_in_dim3A {strides = array<i32>} : memref<1x12288xf32, #tpu.memory_space<vmem>>, vector<1x12288xf32>,
    return
  }
}

module attributes {stable_mosaic.version = 14 : i64} {
  func.func @_gate_z_body(%arg0: i32, %arg1: i32, %arg2: memref<16x768xf32, #tpu.memory_space<vmem>>, %arg3: memref<768x16xf32, #tpu.memory_space<vmem>>, %arg4: memref<1x768x1536xf32, #tpu.memory_space<vmem>>, %arg5: memref<1x1x1536xf32, #tpu.memory_space<vmem>>, %arg6: memref<16x16xf32, #tpu.memory_space<vmem>>) attributes {dimension_semantics = [#tpu.dimension_semantics<arbitrary>, #tpu.dimension_semantics<arbitrary>], iteration_bounds = array<i64: 16, 2>, scalar_prefetch = 0 : i64, scratch_operands = 1 : i64, tpu.core_type = #tpu.core_type<tc>, window_params = [{pipeline_mode = #tpu.pipeline_mode<synchronous>, transform_indices = @transform_0, window_bounds = array<i64: 16, 768>}, {pipeline_mode = #tpu.pipeline_mode<synchronous>, transform_indices = @transform_1, window_bounds = array<i64: 768, 16>}, {transform_indices = @transform_2, window_bounds = array<i64: 1, 768, 1536>}, {transform_indices = @transform_3, window_bounds = array<i64: 1, 1, 1536>}]} {
    %eq3A = arith.constant 0 : i32
    %eq3A_0 = arith.cmpi eq, %arg0, %eq3A : i32
    %eq3A_1 = arith.constant 0 : i32
    %eq3A_2 = arith.cmpi eq, %arg1, %eq3A_1 : i32
    %and3A = arith.andi %eq3A_0, %eq3A_2 : i1
    %convert_element_type3A = arith.extui %and3A : i1 to i32
    %cond3A = arith.constant 0 : i32
    %cond3A_3 = arith.cmpi ne, %convert_element_type3A, %cond3A : i32
    scf.if %cond3A_3 {
      %get3A_30 = arith.constant 0 : index
      %get3A_31 = arith.constant 0 : index
      %get3A_32 = vector.load %arg2[%get3A_30, %get3A_31] : memref<16x768xf32, #tpu.memory_space<vmem>>, vector<16x768xf32>
      %get3A_33 = arith.constant 0 : index
      %get3A_34 = arith.constant 0 : index
      %get3A_35 = vector.load %arg3[%get3A_33, %get3A_34] : memref<768x16xf32, #tpu.memory_space<vmem>>, vector<768x16xf32>
      %dot_general3A_36 = arith.constant dense<0.000000e+00> : vector<16x16xf32>
      %dot_general3A_37 = tpu.matmul %get3A_32, %get3A_35, %dot_general3A_36 {dimension_numbers = #tpu.dot_dimension_numbers<[1], [0], [0], [1], [0, 0, 1, 1], [], []>, transpose_lhs_hint = false} : vector<16x768xf32>, vector<768x16xf32>, vector<16x16xf32> -> vector<16x16xf32>
      %reduce_max3A = arith.constant dense<0xFF800000> : vector<16xf32>
      %reduce_max3A_38 = vector.multi_reduction <maximumf>, %dot_general3A_37, %reduce_max3A [1] : vector<16x16xf32> to vector<16xf32>
      %broadcast_in_dim3A = vector.shape_cast %reduce_max3A_38 : vector<16xf32> to vector<16x1xf32>
      %sub3A = vector.broadcast %broadcast_in_dim3A : vector<16x1xf32> to vector<16x16xf32>
      %sub3A_39 = arith.subf %dot_general3A_37, %sub3A : vector<16x16xf32>
      %exp3A = math.exp %sub3A_39 : vector<16x16xf32>
      %reduce_sum3A = arith.constant dense<0.000000e+00> : vector<16xf32>
      %reduce_sum3A_40 = vector.multi_reduction <add>, %exp3A, %reduce_sum3A [1] : vector<16x16xf32> to vector<16xf32>
      %broadcast_in_dim3A_41 = vector.shape_cast %reduce_sum3A_40 : vector<16xf32> to vector<16x1xf32>
      %div3A = vector.broadcast %broadcast_in_dim3A_41 : vector<16x1xf32> to vector<16x16xf32>
      %div3A_42 = arith.divf %exp3A, %div3A : vector<16x16xf32>
      %broadcast_in_dim3A_43 = vector.shape_cast %div3A_42 : vector<16x16xf32> to vector<16x16x1xf32>
      %broadcast_in_dim3A_44 = vector.shape_cast %div3A_42 : vector<16x16xf32> to vector<16x1x16xf32>
      %iota3A = tpu.iota {dimensions = array<i32: 1>} : vector<16x16x16xi32>
      %iota3A_45 = tpu.iota {dimensions = array<i32: 2>} : vector<16x16x16xi32>
      %gt3A = vector.broadcast %broadcast_in_dim3A_44 : vector<16x1x16xf32> to vector<16x16x16xf32>
      %gt3A_46 = vector.broadcast %broadcast_in_dim3A_43 : vector<16x16x1xf32> to vector<16x16x16xf32>
      %gt3A_47 = arith.cmpf ogt, %gt3A, %gt3A_46 : vector<16x16x16xf32>
      %eq3A_48 = vector.broadcast %broadcast_in_dim3A_44 : vector<16x1x16xf32> to vector<16x16x16xf32>
      %eq3A_49 = vector.broadcast %broadcast_in_dim3A_43 : vector<16x16x1xf32> to vector<16x16x16xf32>
      %eq3A_50 = arith.cmpf oeq, %eq3A_48, %eq3A_49 : vector<16x16x16xf32>
      %lt3A = arith.cmpi slt, %iota3A_45, %iota3A : vector<16x16x16xi32>
      %and3A_51 = arith.andi %eq3A_50, %lt3A : vector<16x16x16xi1>
      %or3A = arith.ori %gt3A_47, %and3A_51 : vector<16x16x16xi1>
      %convert_element_type3A_52 = arith.extui %or3A : vector<16x16x16xi1> to vector<16x16x16xi32>
      %reduce_sum3A_53 = arith.constant dense<0> : vector<16x16xi32>
      %reduce_sum3A_54 = vector.multi_reduction <add>, %convert_element_type3A_52, %reduce_sum3A_53 [2] : vector<16x16x16xi32> to vector<16x16xi32>
      %broadcast_in_dim3A_55 = vector.shape_cast %reduce_sum3A_54 : vector<16x16xi32> to vector<16x16x1xi32>
      %iota3A_56 = tpu.iota {dimensions = array<i32: 2>} : vector<16x16x16xi32>
      %eq3A_57 = vector.broadcast %broadcast_in_dim3A_55 : vector<16x16x1xi32> to vector<16x16x16xi32>
      %eq3A_58 = arith.cmpi eq, %eq3A_57, %iota3A_56 : vector<16x16x16xi32>
      %broadcast_in_dim3A_59 = vector.shape_cast %div3A_42 : vector<16x16xf32> to vector<16x16x1xf32>
      %convert_element_type3A_60 = arith.extui %eq3A_58 : vector<16x16x16xi1> to vector<16x16x16xi32>
      %convert_element_type3A_61 = arith.sitofp %convert_element_type3A_60 : vector<16x16x16xi32> to vector<16x16x16xf32>
      %mul3A_62 = vector.broadcast %broadcast_in_dim3A_59 : vector<16x16x1xf32> to vector<16x16x16xf32>
      %mul3A_63 = arith.mulf %mul3A_62, %convert_element_type3A_61 : vector<16x16x16xf32>
      %reduce_sum3A_64 = arith.constant dense<0.000000e+00> : vector<16x16xf32>
      %reduce_sum3A_65 = vector.multi_reduction <add>, %mul3A_63, %reduce_sum3A_64 [1] : vector<16x16x16xf32> to vector<16x16xf32>
      %reduce_sum3A_66 = arith.constant dense<0.000000e+00> : vector<16xf32>
      %reduce_sum3A_67 = vector.multi_reduction <add>, %reduce_sum3A_65, %reduce_sum3A_66 [1] : vector<16x16xf32> to vector<16xf32>
      %broadcast_in_dim3A_68 = vector.shape_cast %reduce_sum3A_67 : vector<16xf32> to vector<16x1xf32>
      %div3A_69 = vector.broadcast %broadcast_in_dim3A_68 : vector<16x1xf32> to vector<16x16xf32>
      %div3A_70 = arith.divf %reduce_sum3A_65, %div3A_69 : vector<16x16xf32>
      %swap3A_71 = arith.constant 0 : index
      %swap3A_72 = arith.constant 0 : index
      %swap3A_73 = vector.load %arg6[%swap3A_71, %swap3A_72] : memref<16x16xf32, #tpu.memory_space<vmem>>, vector<16x16xf32>
      tpu.vector_store %arg6[%swap3A_71, %swap3A_72], %div3A_70 {strides = array<i32>} : memref<16x16xf32, #tpu.memory_space<vmem>>, vector<16x16xf32>,
    } else {
    }
    %get3A = arith.constant 0 : index
    %get3A_4 = arith.constant 0 : index
    %get3A_5 = vector.load %arg2[%get3A, %get3A_4] : memref<16x768xf32, #tpu.memory_space<vmem>>, vector<16x768xf32>
    %get3A_6 = arith.constant 0 : index
    %get3A_7 = arith.constant 0 : index
    %get3A_8 = arith.constant 0 : index
    %get3A_9 = vector.load %arg4[%get3A_6, %get3A_7, %get3A_8] : memref<1x768x1536xf32, #tpu.memory_space<vmem>>, vector<1x768x1536xf32>
    %get3A_10 = vector.shape_cast %get3A_9 : vector<1x768x1536xf32> to vector<768x1536xf32>
    %dot_general3A = arith.constant dense<0.000000e+00> : vector<16x1536xf32>
    %dot_general3A_11 = tpu.matmul %get3A_5, %get3A_10, %dot_general3A {dimension_numbers = #tpu.dot_dimension_numbers<[1], [0], [0], [1], [0, 0, 1, 1], [], []>, transpose_lhs_hint = false} : vector<16x768xf32>, vector<768x1536xf32>, vector<16x1536xf32> -> vector<16x1536xf32>
    %mul3A = arith.constant 5.000000e-01 : f32
    %mul3A_12 = vector.broadcast %mul3A : f32 to vector<16x1536xf32>
    %mul3A_13 = arith.mulf %mul3A_12, %dot_general3A_11 : vector<16x1536xf32>
    %mul3A_14 = arith.constant 0.707106769 : f32
    %mul3A_15 = vector.broadcast %mul3A_14 : f32 to vector<16x1536xf32>
    %mul3A_16 = arith.mulf %dot_general3A_11, %mul3A_15 : vector<16x1536xf32>
    %erf3A = math.erf %mul3A_16 : vector<16x1536xf32>
    %add3A = arith.constant 1.000000e+00 : f32
    %add3A_17 = vector.broadcast %add3A : f32 to vector<16x1536xf32>
    %add3A_18 = arith.addf %add3A_17, %erf3A : vector<16x1536xf32>
    %mul3A_19 = arith.mulf %mul3A_13, %add3A_18 : vector<16x1536xf32>
    %get3A_20 = arith.index_cast %arg0 : i32 to index
    %get3A_21 = arith.constant 0 : index
    %get3A_22 = vector.load %arg6[%get3A_20, %get3A_21] : memref<16x16xf32, #tpu.memory_space<vmem>>, vector<1x16xf32>
    %dot_general3A_23 = arith.constant dense<0.000000e+00> : vector<1x1536xf32>
    %dot_general3A_24 = tpu.matmul %get3A_22, %mul3A_19, %dot_general3A_23 {dimension_numbers = #tpu.dot_dimension_numbers<[1], [0], [0], [1], [0, 0, 1, 1], [], []>, transpose_lhs_hint = false} : vector<1x16xf32>, vector<16x1536xf32>, vector<1x1536xf32> -> vector<1x1536xf32>
    %swap3A = arith.constant 0 : index
    %swap3A_25 = arith.constant 0 : index
    %swap3A_26 = arith.constant 0 : index
    %swap3A_27 = vector.load %arg5[%swap3A, %swap3A_25, %swap3A_26] : memref<1x1x1536xf32, #tpu.memory_space<vmem>>, vector<1x1x1536xf32>
    %swap3A_28 = vector.shape_cast %swap3A_27 : vector<1x1x1536xf32> to vector<1x1536xf32>
    %swap3A_29 = vector.shape_cast %dot_general3A_24 : vector<1x1536xf32> to vector<1x1x1536xf32>
    tpu.vector_store %arg5[%swap3A, %swap3A_25, %swap3A_26], %swap3A_29 {strides = array<i32>} : memref<1x1x1536xf32, #tpu.memory_space<vmem>>, vector<1x1x1536xf32>,
    return
  }
  func.func @transform_0(%arg0: i32, %arg1: i32) -> (i32, i32) {
    %c0_i32 = arith.constant 0 : i32
    %c0_i32_0 = arith.constant 0 : i32
    %c0_i32_1 = arith.constant 0 : i32
    return %c0_i32, %c0_i32_0 : i32, i32
  }
  func.func @transform_1(%arg0: i32, %arg1: i32) -> (i32, i32) {
    %c0_i32 = arith.constant 0 : i32
    %c0_i32_0 = arith.constant 0 : i32
    %c0_i32_1 = arith.constant 0 : i32
    return %c0_i32, %c0_i32_0 : i32, i32
  }
  func.func @transform_2(%arg0: i32, %arg1: i32) -> (i32, i32, i32) {
    %c0_i32 = arith.constant 0 : i32
    %c0_i32_0 = arith.constant 0 : i32
    return %arg0, %c0_i32, %arg1 : i32, i32, i32
  }
  func.func @transform_3(%arg0: i32, %arg1: i32) -> (i32, i32, i32) {
    %c0_i32 = arith.constant 0 : i32
    %c0_i32_0 = arith.constant 0 : i32
    return %arg0, %c0_i32, %arg1 : i32, i32, i32
  }
}

</mosaic_0001>

<sc_bundles>
// kernel: kernel.5.cloned.1.call-start
scs
__scs_entry_jumppad:
0x0: {  	(pc) =	sbr.rel $0x88, $3  }
0x1: {  	(tag) =	ssettag $0x0;
	lr =	simm.s32 $0x1  }
0x2: {  	[smem:$0x3F9D] =	sst lr;
	_ =	strace $0xD0000000  }
0x3: {  	_ = 	snop  }
0x4: {  	_ = 	snop  }
0x5: {  	_ = 	snop  }
0x6: {  	_ = 	snop  }
0x7: {  	_ = 	snop  }
__scs_overlays_trampoline_lowered:
0x8: {  	[smem:$0x3FAC] =	sst s0  }
0x9: {  	[smem:$0x3FAD] =	sst s1  }
0xa: {  	[smem:$0x3FAE] =	sst s2  }
0xb: {  	[smem:$0x3FAF] =	sst s3  }
0xc: {  	[smem:$0x3FB0] =	sst s4  }
0xd: {  	[smem:$0x3FB1] =	sst s5  }
0xe: {  	[smem:$0x3FB2] =	sst s6  }
0xf: {  	[smem:$0x3FB3] =	sst s7  }
0x10: {  	[smem:$0x3FB4] =	sst s8  }
0x11: {  	[smem:$0x3FB5] =	sst s9;
	s0 =	simm.s32 @!p0 $0x0  }
0x12: {  	s1 =	sld [smem:$0x3F9B];
	s0 =	simm.s32 @p0 $0x1  }
0x13: {  	[smem:$0x3FB6] =	sst s0;
	s0 =	simm.s32 @!p1 $0x0  }
0x14: {  	s2 =	sld [smem:$0x3F9A];
	s0 =	simm.s32 @p1 $0x1  }
0x15: {  	[smem:$0x3FB7] =	sst s0;
	s0 =	simm.s32 @!p2 $0x0  }
0x16: {  	s3 =	sld [smem:$0x3FDB];
	s0 =	simm.s32 @p2 $0x1  }
0x17: {  	s4 =	simm.s32 $0x1BF5;
	[smem:$0x3FB9] =	sst s0  }
0x18: {  	s0 =	sld [smem:$0x3F9C];
	_ =	swait.ge [sflag:s4], $0x0  }
0x19: {  	s7 =	sld [smem:$0x3F9D]  }
0x1a: {  	s8 =	sadd.s32 $0xFFFFE003, lr  }
0x1b: {  	s9 =	sadd.s32 $0xFFFFFEF7, lr;
	s5 =	simm.s32 $0xFFFFFFFF;
	p2 =	slt.u32 s8, $0xFFFFF086  }
0x1c: {  	p1 =	slt.u32 s9, $0xF7A;
	s5 =	simm.s32 @!p2 $0x0  }
0x1d: {  	s5 =	simm.s32 @p1 $0x1;
	p0 =	seq.s32 s7, s2  }
0x1e: {  	s7 =	smul.u32 @!p0 $0xF7A, s2;
	p2 =	seq.s32 @!p0 s5, $0x0  }
0x1f: {  	s9 =	smul.u32 $0xF7A, s1;
	s8 =	simm.s32 @!p0 $0x1BF5;
	p2 =	por !p2, p0  }
0x20: {  	[sflag:s8] =	ssyncset.s32 @!p0 $0xFFFFF086;
	s6 =	sadd.s32 @!p0 s3, s7;
	s7 =	simm.s32 @!p0 $0x108  }
0x21: {  	s3 =	sadd.s32 s3, s9;
	s6 =	sadd.s32 @!p0 $0x88, s6;
	s7 =	simm.s32 @p2 $0x1082  }
0x22: {  	[simem:s7], [sflag:s8] =	dma.local @!p0 [hbm:s6], $0xF7A  }
0x23: {  	s9 =	sor.u32 $0xD0000000, s2;
	s6 =	simm.s32 $0x108;
	_ =	swait.ge @!p0 [sflag:s8], $0x0  }
0x24: {  	s3 =	sadd.s32 $0x88, s3;
	s6 =	simm.s32 @!p1 $0x1082;
	[sflag:s4] =	ssyncset.s32 $0xFFFFF086  }
0x25: {  	[simem:s6], [sflag:s4] =	dma.local [hbm:s3], $0xF7A  }
0x26: {  	[smem:$0x3F9D] =	sst s1;
	(tag) =	ssettag s2;
	_ =	strace s9  }
0x27: {  	s1 =	sld [smem:$0x3FAD]  }
0x28: {  	s2 =	sld [smem:$0x3FAE]  }
0x29: {  	s4 =	sld [smem:$0x3FB0]  }
0x2a: {  	p0 =	seq.s32 s5, $0x0;
	s5 =	sld [smem:$0x3FB1]  }
0x2b: {  	s6 =	sld [smem:$0x3FB2]  }
0x2c: {  	s7 =	sld [smem:$0x3FB3]  }
0x2d: {  	s3 =	simm.s32 $0x108;
	s8 =	sld [smem:$0x3FB4]  }
0x2e: {  	s3 =	simm.s32 @!p0 $0x1082;
	s9 =	sld [smem:$0x3FB5]  }
0x2f: {  	lr =	sadd.s32 s0, s3;
	s0 =	sld [smem:$0x3FAC]  }
0x30: {  	s3 =	sld [smem:$0x3FAF]  }
0x31: {  	[smem:$0x3FB8] =	sst s10  }
0x32: {  	s10 =	sld [smem:$0x3FB6];
	_ =	sdelay $0x3  }
0x33: {  	p0 =	seq.s32 s10, $0x1;
	s10 =	sld [smem:$0x3FB8];
	_ =	sdelay $0x3  }
0x34: {  	[smem:$0x3FB8] =	sst s10  }
0x35: {  	s10 =	sld [smem:$0x3FB7];
	_ =	sdelay $0x3  }
0x36: {  	p1 =	seq.s32 s10, $0x1;
	s10 =	sld [smem:$0x3FB8];
	_ =	sdelay $0x3  }
0x37: {  	[smem:$0x3FB8] =	sst s10  }
0x38: {  	s10 =	sld [smem:$0x3FB9]  }
0x39: {  	_ = 	snop;
	(pc) =	sbr.ind lr, $3  }
0x3a: {  	_ = 	snop  }
0x3b: {  	_ = 	snop  }
0x3c: {  	p2 =	seq.s32 s10, $0x1;
	s10 =	sld [smem:$0x3FB8]  }
0x3d: {  	_ =	shalt  }
0x3e: {  	_ =	shalt  }
0x3f: {  	_ =	shalt  }
0x40: {  	_ =	shalt  }
0x41: {  	_ =	shalt  }
0x42: {  	_ =	shalt  }
0x43: {  	_ =	shalt  }
0x44: {  	_ =	shalt  }
0x45: {  	_ =	shalt  }
0x46: {  	_ =	shalt  }
0x47: {  	_ =	shalt  }
0x48: {  	_ =	shalt  }
0x49: {  	_ =	shalt  }
0x4a: {  	_ =	shalt  }
0x4b: {  	_ =	shalt  }
0x4c: {  	_ =	shalt  }
0x4d: {  	_ =	shalt  }
0x4e: {  	_ =	shalt  }
0x4f: {  	_ =	shalt  }
0x50: {  	_ =	shalt  }
0x51: {  	_ =	shalt  }
0x52: {  	_ =	shalt  }
0x53: {  	_ =	shalt  }
0x54: {  	_ =	shalt  }
0x55: {  	_ =	shalt  }
0x56: {  	_ =	shalt  }
0x57: {  	_ =	shalt  }
0x58: {  	_ =	shalt  }
0x59: {  	_ =	shalt  }
0x5a: {  	_ =	shalt  }
0x5b: {  	_ =	shalt  }
0x5c: {  	_ =	shalt  }
0x5d: {  	_ =	shalt  }
0x5e: {  	_ =	shalt  }
0x5f: {  	_ =	shalt  }
0x60: {  	_ =	shalt  }
0x61: {  	_ =	shalt  }
0x62: {  	_ =	shalt  }
0x63: {  	_ =	shalt  }
0x64: {  	_ =	shalt  }
0x65: {  	_ =	shalt  }
0x66: {  	_ =	shalt  }
0x67: {  	_ =	shalt  }
0x68: {  	_ =	shalt  }
0x69: {  	_ =	shalt  }
0x6a: {  	_ =	shalt  }
0x6b: {  	_ =	shalt  }
0x6c: {  	_ =	shalt  }
0x6d: {  	_ =	shalt  }
0x6e: {  	_ =	shalt  }
0x6f: {  	_ =	shalt  }
0x70: {  	_ =	shalt  }
0x71: {  	_ =	shalt  }
0x72: {  	_ =	shalt  }
0x73: {  	_ =	shalt  }
0x74: {  	_ =	shalt  }
0x75: {  	_ =	shalt  }
0x76: {  	_ =	shalt  }
0x77: {  	_ =	shalt  }
0x78: {  	_ =	shalt  }
0x79: {  	_ =	shalt  }
0x7a: {  	_ =	shalt  }
0x7b: {  	_ =	shalt  }
0x7c: {  	_ =	shalt  }
0x7d: {  	_ =	shalt  }
0x7e: {  	_ =	shalt  }
0x7f: {  	_ =	shalt  }
0x80: {  	_ =	shalt  }
0x81: {  	_ =	shalt  }
0x82: {  	_ =	shalt  }
0x83: {  	_ =	shalt  }
0x84: {  	_ =	shalt  }
0x85: {  	_ =	shalt  }
0x86: {  	_ =	shalt  }
0x87: {  	_ =	shalt  }
.Lfunc_end0:
.L_simem_size_0:
called_computation_lowered:
.L_overlay_start_0:
0x88: {  	s2 =	sld [smem:$0x3FD9]  }
0x89: {  	s3 =	sld [smem:$0x3FFE];
	_ =	sdelay $0x1  }
0x8a: {  	s1 =	srdreg.scid  }
0x8b: {  	s0 =	sand.u32 $0x1, s1  }
0x8c: {  	s17 =	sshll.u32 s0, $0xA;
	s2 =	sadd.s32 s3, s2  }
0x8d: {  	s2 =	sadd.s32 s2, s17  }
0x8e: {  	[smem:$0x3FC4] =	sst s2  }
0x8f: {  	_ = 	snop  }
0x90: {  	s2 =	sld [smem:$0x3FC6];
	(tm) =	ssettm $0x1  }
0x91: {  	s18 =	sld [smem:$0x3FFB];
	_ =	sdelay $0x3  }
0x92: {  	_ =	strace s18  }
0x93: {  	s3 =	sld [smem:$0x3FFC];
	_ =	sdelay $0x3  }
0x94: {  	_ =	strace s3  }
0x95: {  	s3 =	sld [smem:$0x3FFD];
	_ =	sdelay $0x3  }
0x96: {  	_ =	strace s3  }
0x97: {  	_ =	strace $0x8FFFFFFF  }
0x98: {  	s19 =	sld [smem:$0x3FDB];
	_ =	sdelay $0x1  }
0x99: {  	s4 =	simm.s32 $_scs_section_size  }
0x9a: {  	s5 =	simm.s32 $_size__tile_overlayer_lowered;
	s6 =	simm.s32 $_tile_overlayer_lowered  }
0x9b: {  	s22 =	simm.s32 $0x1BFF;
	s21 =	sshll.u32 s6, $0x1;
	s3 =	sadd.s32 s4, s19  }
0x9c: {  	s7 =	simm.s32 $0x0;
	s20 =	sshll.u32 s5, $0x1;
	s5 =	sadd.s32 s21, s3  }
0x9d: {  	[timem:s7], [sflag:s22] =	dma.local [hbm:s5], s20  }
0x9e: {  	_ =	swait.ge [sflag:s22], s20  }
0x9f: {  	s4 =	ssub.s32 $0x0, s20;
	[sflag:s22] =	ssyncset.done $0x0  }
0xa0: {  	[sflag:s22] =	ssyncadd.s32 s4;
	_ =	sdelay $0x1  }
0xa1: {  	s23 =	simm.s32 $0x1B8B  }
0xa2: {  	_ =	swait.ge [sflag:s23], $0x1  }
0xa3: {  	[sflag:s23] =	ssyncset.done $0x0  }
0xa4: {  	s25 =	simm.s32 $0x1B8E;
	s24 =	sld [smem:$0x3FFE];
	[sflag:s23] =	ssyncadd.s32 $0xFFFFFFFF  }
0xa5: {  	s26 =	simm.s32 $execute0_lowered;
	[smem:$0x3FD2] =	sst s25  }
0xa6: {  	s5 =	sshll.u32 s26, $0x1;
	_ =	strace $0x80000046;
	[dreg:$0x1] =	wrdreg $0xFFFFFFFF  }
0xa7: {  	s28 =	simm.s32 $_size_execute0_lowered;
	s3 =	sadd.s32 s3, s5;
	[dreg:$0x0] =	wrdreg $0x0  }
0xa8: {  	s5 =	sshll.u32 s28, $0x1;
	[dreg:$0x2] =	wrdreg s3  }
0xa9: {  	[dreg:$0x3] =	wrdreg s5  }
0xaa: {  	[dreg:$0x4] =	wrdreg $0xC0  }
0xab: {  	_ =	task [dreg:s7], $0x5FFFF  }
0xac: {  	[dreg:$0x1] =	wrdreg $0xFFFFFFFF  }
0xad: {  	[dreg:$0x0] =	wrdreg $0x60  }
0xae: {  	[dreg:$0x2] =	wrdreg s24  }
0xaf: {  	[dreg:$0x3] =	wrdreg s2  }
0xb0: {  	[dreg:$0x4] =	wrdreg $0x9  }
0xb1: {  	_ =	task.clear_ibuf [dreg:s7], $0x5FFFF;
	_ =	strace $0x90000046  }
0xb2: {  	s29 =	simm.s32 $0x9;
	_ =	strace $0x80000048  }
0xb3: {  	_ =	swait.ge [sflag:s29], $0x1  }
0xb4: {  	[sflag:s29] =	ssyncadd.s32 $0xFFFFFFFF  }
0xb5: {  	_ =	strace $0x90000048  }
0xb6: {  	_ =	sfence  }
0xb7: {  	s30 =	sld [smem:$0x0];
	_ =	sdelay $0x2  }
0xb8: {  	s31 =	sshll.u32 s1, $0xD;
	s1 =	sshrl.u32 s1, $0x2  }
0xb9: {  	s3 =	sand.u32 $0x4000, s31;
	s1 =	sadd.s32 s1, s30  }
0xba: {  	s0 =	sor.u32 s3, s0;
	s1 =	sshll.u32 s1, $0x11  }
0xbb: {  	s0 =	sor.u32 s1, s0  }
0xbc: {  	s0 =	sadd.s32 $0x8F2B, s0  }
0xbd: {  	[sflag:s0] =	ssyncadd.remote.s32 $0x1  }
0xbe: {  	_ =	sfence.sel $0xFFFF  }
0xbf: {  	[dreg:$0x0] =	wrdreg $0xFFFFFFFF;
	(pc) =	sbr.abs _section_cstart, $3  }
0xc0: {  	[dreg:$0x1] =	wrdreg $0xFFFFFFFF  }
0xc1: {  	_ =	task.clear_ibuf [dreg:s7], $0x2FFFF;
	_ =	strace $0x9FFFFFFF  }
0xc2: {  	(tm) =	ssettm $0x7FFFFFFF  }
0xc3: {  	_ =	shalt  }
tec
execute0_lowered:
.L_overlay_start_1:
0x0: {  	(tag) =	ssettag $0x1  }
0x1: {  	s5 =	rddreg [dreg:$0x0]  }
0x2: {  	s1 =	srdreg.scid;
	s0 =	stileid.u32  }
0x3: {  	s2 =	rddreg [dreg:$0x1];
	s3 =	simm.s32 $0x0;
	s10 =	simm.s32 $0x9080  }
0x4: {  	s11 =	simm.s32 $0x0;
	s4 =	sand.u32 $0x1, s1;
	s6 =	sshll.u32 s0, $0x1  }
0x5: {  	s1 =	rddreg [dreg:$0x2];
	s6 =	sor.u32 s4, s6;
	s8 =	ssub.s32 $0x2, s4  }
0x6: {  	[smem:$0x7FF] =	sst s3;
	s7 =	smul.u32 $0x600, s6;
	s9 =	sshrl.u32 s8, $0x1  }
0x7: {  	_ =	strace $0x80000047;
	s4 =	sadd.s32 $0x800, s5;
	s8 =	ssub.s32 s8, s9  }
0x8: {  	s9 =	simm.s32 $0x1;
	s7 =	sadd.s32 s7, s5;
	s5 =	smul.u32 $0x60, s6  }
0x9: {  	v0 =	vimm.f32 $0.0e+00;
	v1 =	vimm.s32 $0x0;
	s6 =	sadd.s32 $0x2000, s7;
	s7 =	smax.u32 s8, $0x1;
	s8 =	simm.s32 $0x9000  }
.LBB2_1:
0xa: {  	s12 =	simm.s32 $0x40;
	s13 =	simm.s32 $0x0  }
.LBB2_2:
0xb: {  	p0 =	sne.s32 s12, $0xBFC0;
	[tilespmem:s13+$0x9080] =	vst v0;
	s13 =	smov.u32 s12;
	s12 =	sadd.s32 $0x40, s12  }
.Ltmp0:
0xc: {  	(pc) =	sbr.rel @p0 .LBB2_2-.Ltmp0, $2  }
0xd: {  	_ =	sdelay $0x2  }
0xe: {  	s13 =	sshra.s32 s13, $0x2  }
0xf: {  	[tilespmem:s13+$0x9080] =	vst v0;
	s12 =	simm.s32 $0x0;
	s13 =	simm.s32 $0x0;
	s14 =	simm.s32 $0x0  }
.LBB2_4:
0x10: {  	s15 =	smul.u32 $0xC00, s14;
	_ =	sdelay $0x1  }
0x11: {  	s15 =	sadd.s32 s5, s15  }
0x12: {  	s16 =	sshrl.u32 s15, $0x3  }
0x13: {  	s16 =	sadd.s32 s4, s16  }
0x14: {  	[tilespmem:s8], [sflag:$0x1] =	stream.linear.gather [hbm4b:s16+s12], $0x60, $0x38;
	[tilespmem:$0xC100] =	vst v63  }
0x15: {  	_ =	swait.ge [sflag:s9], $0x60  }
0x16: {  	[sflag:s9] =	ssyncset.done $0x0  }
0x17: {  	[sflag:s9] =	ssyncadd.s32 $0xFFFFFFA0  }
0x18: {  	p1 =	por $0x1, $0x1;
	s16 =	simm.s32 $0x0;
	[tilespmem:$0xC080] =	vst v1  }
.LBB2_5:
0x19: {  	s17 =	sadd.s32 s15, s16  }
0x1a: {  	s17 =	sshrl.u32 s17, $0x3  }
0x1b: {  	s17 =	smul.u32 $0x300, s17;
	_ =	sdelay $0x1  }
0x1c: {  	s18 =	sadd.s32 s2, s17;
	s17 =	simm.s32 $0x0  }
0x1d: {  	[tilespmem:s17], [sflag:$0x1] =	stream.linear.gather [hbm4b:s18+s17], $0x9000, $0x38;
	[tilespmem:$0xC100] =	vst v63  }
0x1e: {  	_ =	swait.ge [sflag:s9], $0x9000  }
0x1f: {  	[sflag:s9] =	ssyncset.done $0x0  }
0x20: {  	[sflag:s9] =	ssyncadd.s32 $0xFFFF7000  }
0x21: {  	p0 =	por p1, p1;
	s18 =	simm.s32 $0x0;
	v2 =	vld [tilespmem:s16+$0x9000];
	[tilespmem:$0xC080] =	vst v1  }
.LBB2_6:
0x22: {  	v3 =	vld [tilespmem:$0xC080];
	s19 =	sshrl.u32 s18, $0x3  }
0x23: {  	s19 =	smul.u32 $0x6000, s19  }
0x24: {  	s20 =	sshll.u32 s18, $0x7  }
0x25: {  	s20 =	sand.u32 $0x380, s20;
	s19 =	sshra.s32 s19, $0x2  }
0x26: {  	s21 =	sand.u32 $0x1C00, s17;
	s19 =	sor.u32 s20, s19  }
0x27: {  	s20 =	sand.u32 $0x70, s17;
	v4 =	vadd.s32 $0x1, v3;
	s21 =	sadd.s32 s21, s19  }
0x28: {  	[tilespmem:$0xC080] =	vst v4;
	s21 =	sadd.s32 s20, s21  }
0x29: {  	v4 =	vld [tilespmem:s21+$0x0];
	_ =	sdelay $0x2  }
0x2a: {  	s26 =	sadd.s32 $0x0, s13;
	v3 =	vperm.xlane v2, v3  }
0x2b: {  	s23 =	simm.s32 $0x80;
	s24 =	simm.s32 $0x20;
	s21 =	simm.s32 $0x10  }
0x2c: {  	s25 =	sand.u32 $0x1C00, s23;
	s26 =	sand.u32 $0x7F80, s26;
	s22 =	sand.u32 $0x70, s21;
	v4 =	vmul.f32 v4, v3  }
.LBB2_7:
0x2d: {  	p1 =	sne.s32 s24, $0x2F0;
	s25 =	sadd.s32 s25, s19;
	s20 =	sor.u32 s20, s26  }
0x2e: {  	s26 =	smov.u32 s21;
	s25 =	sadd.s32 s22, s25;
	[tilespmem:s20+$0x9080] =	vst.add.f32.msk $0xffff, v4;
	s20 =	smov.u32 s22  }
0x2f: {  	s21 =	smov.u32 s24;
	v4 =	vld [tilespmem:s25+$0x0]  }
.Ltmp1:
0x30: {  	(pc) =	sbr.rel @p1 .LBB2_7-.Ltmp1, $3  }
0x31: {  	_ =	sdelay $0x1  }
0x32: {  	s23 =	sadd.s32 $0x80, s23;
	s22 =	sand.u32 $0x70, s24;
	s26 =	sadd.s32 s26, s13  }
0x33: {  	s24 =	sadd.s32 $0x10, s24;
	s25 =	sand.u32 $0x1C00, s23;
	s26 =	sand.u32 $0x7F80, s26;
	v4 =	vmul.f32 v4, v3  }
0x34: {  	s19 =	sadd.s32 s25, s19;
	s20 =	sor.u32 s20, s26  }
0x35: {  	s19 =	sadd.s32 s22, s19;
	[tilespmem:s20+$0x9080] =	vst.add.f32.msk $0xffff, v4  }
0x36: {  	v4 =	vld [tilespmem:s19+$0x0]  }
0x37: {  	s18 =	sadd.s32 $0x1, s18  }
0x38: {  	p1 =	sne.s32 s18, $0x10  }
.Ltmp2:
0x39: {  	_ = 	snop;
	(pc) =	sbr.rel @p1 .LBB2_6-.Ltmp2, $4  }
0x3a: {  	s31 =	sadd.s32 s21, s13  }
0x3b: {  	s19 =	sand.u32 $0x7F80, s31;
	v3 =	vmul.f32 v4, v3  }
0x3c: {  	s19 =	sor.u32 s22, s19  }
0x3d: {  	[tilespmem:s19+$0x9080] =	vst.add.f32.msk $0xffff, v3  }
0x3e: {  	v2 =	vld [tilespmem:s16+$0x9010];
	[tilespmem:$0xC080] =	vst v1;
	s17 =	simm.s32 $0x0;
	s18 =	simm.s32 $0x0  }
.LBB2_10:
0x3f: {  	s19 =	sshrl.u32 s18, $0x3  }
0x40: {  	v3 =	vld [tilespmem:$0xC080];
	s19 =	sor.u32 $0x2, s19  }
0x41: {  	s19 =	smul.u32 $0x6000, s19  }
0x42: {  	s20 =	sshll.u32 s18, $0x7  }
0x43: {  	s20 =	sand.u32 $0x380, s20;
	s19 =	sshra.s32 s19, $0x2  }
0x44: {  	s21 =	sand.u32 $0x1C00, s17;
	s19 =	sor.u32 s20, s19  }
0x45: {  	v4 =	vadd.s32 $0x1, v3;
	s20 =	sand.u32 $0x70, s17;
	s21 =	sadd.s32 s21, s19  }
0x46: {  	[tilespmem:$0xC080] =	vst v4;
	s21 =	sadd.s32 s20, s21  }
0x47: {  	v4 =	vld [tilespmem:s21+$0x0];
	_ =	sdelay $0x2  }
0x48: {  	s26 =	sadd.s32 $0x0, s13;
	v3 =	vperm.xlane v2, v3  }
0x49: {  	s23 =	simm.s32 $0x80;
	s24 =	simm.s32 $0x20;
	s21 =	simm.s32 $0x10  }
0x4a: {  	s25 =	sand.u32 $0x1C00, s23;
	s26 =	sand.u32 $0x7F80, s26;
	s22 =	sand.u32 $0x70, s21;
	v4 =	vmul.f32 v4, v3  }
.LBB2_11:
0x4b: {  	p1 =	sne.s32 s24, $0x2F0;
	s25 =	sadd.s32 s25, s19;
	s20 =	sor.u32 s20, s26  }
0x4c: {  	s26 =	smov.u32 s21;
	s25 =	sadd.s32 s22, s25;
	[tilespmem:s20+$0x9080] =	vst.add.f32.msk $0xffff, v4;
	s20 =	smov.u32 s22  }
0x4d: {  	s21 =	smov.u32 s24;
	v4 =	vld [tilespmem:s25+$0x0]  }
.Ltmp3:
0x4e: {  	(pc) =	sbr.rel @p1 .LBB2_11-.Ltmp3, $3  }
0x4f: {  	_ =	sdelay $0x1  }
0x50: {  	s23 =	sadd.s32 $0x80, s23;
	s22 =	sand.u32 $0x70, s24;
	s26 =	sadd.s32 s26, s13  }
0x51: {  	s24 =	sadd.s32 $0x10, s24;
	s25 =	sand.u32 $0x1C00, s23;
	s26 =	sand.u32 $0x7F80, s26;
	v4 =	vmul.f32 v4, v3  }
0x52: {  	s19 =	sadd.s32 s25, s19;
	s20 =	sor.u32 s20, s26  }
0x53: {  	s19 =	sadd.s32 s22, s19;
	[tilespmem:s20+$0x9080] =	vst.add.f32.msk $0xffff, v4  }
0x54: {  	v4 =	vld [tilespmem:s19+$0x0]  }
0x55: {  	s18 =	sadd.s32 $0x1, s18  }
0x56: {  	p1 =	sne.s32 s18, $0x10  }
.Ltmp4:
0x57: {  	_ = 	snop;
	(pc) =	sbr.rel @p1 .LBB2_10-.Ltmp4, $4  }
0x58: {  	s31 =	sadd.s32 s21, s13  }
0x59: {  	s19 =	sand.u32 $0x7F80, s31;
	v3 =	vmul.f32 v4, v3  }
0x5a: {  	s19 =	sor.u32 s22, s19  }
0x5b: {  	[tilespmem:s19+$0x9080] =	vst.add.f32.msk $0xffff, v3  }
0x5c: {  	v2 =	vld [tilespmem:s16+$0x9020];
	[tilespmem:$0xC080] =	vst v1;
	s16 =	simm.s32 $0x0;
	s17 =	simm.s32 $0x0  }
.LBB2_14:
0x5d: {  	s18 =	sshrl.u32 s17, $0x3  }
0x5e: {  	v3 =	vld [tilespmem:$0xC080];
	s18 =	sor.u32 $0x4, s18  }
0x5f: {  	s18 =	smul.u32 $0x6000, s18  }
0x60: {  	s19 =	sshll.u32 s17, $0x7  }
0x61: {  	s19 =	sand.u32 $0x380, s19;
	s18 =	sshra.s32 s18, $0x2  }
0x62: {  	s20 =	sand.u32 $0x1C00, s16;
	s18 =	sor.u32 s19, s18  }
0x63: {  	v4 =	vadd.s32 $0x1, v3;
	s19 =	sand.u32 $0x70, s16;
	s20 =	sadd.s32 s20, s18  }
0x64: {  	[tilespmem:$0xC080] =	vst v4;
	s20 =	sadd.s32 s19, s20  }
0x65: {  	v4 =	vld [tilespmem:s20+$0x0];
	_ =	sdelay $0x2  }
0x66: {  	s25 =	sadd.s32 $0x0, s13;
	v3 =	vperm.xlane v2, v3  }
0x67: {  	s22 =	simm.s32 $0x80;
	s23 =	simm.s32 $0x20;
	s20 =	simm.s32 $0x10  }
0x68: {  	s24 =	sand.u32 $0x1C00, s22;
	s25 =	sand.u32 $0x7F80, s25;
	s21 =	sand.u32 $0x70, s20;
	v4 =	vmul.f32 v4, v3  }
.LBB2_15:
0x69: {  	p1 =	sne.s32 s23, $0x2F0;
	s24 =	sadd.s32 s24, s18;
	s19 =	sor.u32 s19, s25  }
0x6a: {  	s25 =	smov.u32 s20;
	s24 =	sadd.s32 s21, s24;
	[tilespmem:s19+$0x9080] =	vst.add.f32.msk $0xffff, v4;
	s19 =	smov.u32 s21  }
0x6b: {  	s20 =	smov.u32 s23;
	v4 =	vld [tilespmem:s24+$0x0]  }
.Ltmp5:
0x6c: {  	(pc) =	sbr.rel @p1 .LBB2_15-.Ltmp5, $3  }
0x6d: {  	_ =	sdelay $0x1  }
0x6e: {  	s22 =	sadd.s32 $0x80, s22;
	s21 =	sand.u32 $0x70, s23;
	s25 =	sadd.s32 s25, s13  }
0x6f: {  	s23 =	sadd.s32 $0x10, s23;
	s24 =	sand.u32 $0x1C00, s22;
	s25 =	sand.u32 $0x7F80, s25;
	v4 =	vmul.f32 v4, v3  }
0x70: {  	s18 =	sadd.s32 s24, s18;
	s19 =	sor.u32 s19, s25  }
0x71: {  	s18 =	sadd.s32 s21, s18;
	[tilespmem:s19+$0x9080] =	vst.add.f32.msk $0xffff, v4  }
0x72: {  	v4 =	vld [tilespmem:s18+$0x0]  }
0x73: {  	s17 =	sadd.s32 $0x1, s17  }
0x74: {  	p1 =	sne.s32 s17, $0x10  }
.Ltmp6:
0x75: {  	_ = 	snop;
	(pc) =	sbr.rel @p1 .LBB2_14-.Ltmp6, $4  }
0x76: {  	s31 =	sadd.s32 s20, s13  }
0x77: {  	s18 =	sand.u32 $0x7F80, s31;
	v3 =	vmul.f32 v4, v3  }
0x78: {  	s18 =	sor.u32 s21, s18  }
0x79: {  	[tilespmem:s18+$0x9080] =	vst.add.f32.msk $0xffff, v3  }
.Ltmp7:
0x7a: {  	(pc) =	sbr.rel @p0 .LBB2_5-.Ltmp7, $2  }
0x7b: {  	_ =	sdelay $0x2  }
0x7c: {  	s16 =	simm.s32 $0x30;
	p1 =	por $0x0, $0x0  }
0x7d: {  	s14 =	sadd.s32 $0x1, s14  }
0x7e: {  	p0 =	sne.s32 s14, $0x10  }
.Ltmp8:
0x7f: {  	_ = 	snop;
	(pc) =	sbr.rel @p0 .LBB2_4-.Ltmp8, $2  }
0x80: {  	_ =	sdelay $0x2  }
0x81: {  	s13 =	sadd.s32 $0x300, s13  }
0x82: {  	s11 =	sadd.s32 $0x1, s11  }
0x83: {  	p0 =	sne.s32 s11, s7  }
.Ltmp9:
0x84: {  	_ = 	snop;
	(pc) =	sbr.rel @p0 .LBB2_1-.Ltmp9, $4  }
0x85: {  	[hbm4b:s6+s3] =	stream.linear.scatter [tilespmem:s10], [sflag:$0x1], $0x3000, $0x38;
	[tilespmem:$0xC100] =	vst v63  }
0x86: {  	_ =	swait.ge [sflag:s9], $0x3000  }
0x87: {  	[sflag:s9] =	ssyncset.done $0x0  }
0x88: {  	[sflag:s9] =	ssyncadd.s32 $0xFFFFD000  }
0x89: {  	_ =	sfence.sel $0x180000  }
0x8a: {  	[bflag:$0x0] =	sbarrier.arrive $0xFFFF  }
0x8b: {  	p0 =	sne.s32 s0, $0x0;
	_ =	strace $0x90000047  }
0x8c: {  	s0 =	sadd.s32 @!p0 $0x100000, s1;
	[bflag:$0x2] =	sbarrier.arrive $0xFFFF  }
0x8d: {  	[sflag:s0] =	ssyncadd.tile.s32 @!p0 $0x1;
	_ =	shalt  }
.Lfunc_end2:
_tile_overlayer_lowered:
.L_overlay_start_2:
0x8e: {  	(tag) =	ssettag $0x2  }
0x8f: {  	s0 =	rddreg [dreg:$0x0];
	s2 =	stileid.u32  }
0x90: {  	s1 =	rddreg [dreg:$0x1];
	p0 =	sne.s32 s2, $0x0  }
0x91: {  	s3 =	rddreg [dreg:$0x2];
	[bflag:$0x3] =	sbarrier.arrive $0xFFFF;
	s2 =	simm.s32 @!p0 $0x1C01  }
0x92: {  	[timem:s3], [sflag:s2] =	dma.local @!p0 [hbm:s0], s1  }
0x93: {  	s0 =	simm.s32 @!p0 $0x1  }
0x94: {  	_ =	swait.ge @!p0 [sflag:s0], s1  }
0x95: {  	s1 =	ssub.s32 @!p0 $0x0, s1;
	[sflag:s0] =	ssyncset.done @!p0 $0x0  }
0x96: {  	[sflag:s0] =	ssyncadd.s32 @!p0 s1  }
0x97: {  	[bflag:$0x3] =	sbarrier.arrive $0xFFFF  }
0x98: {  	_ =	shalt  }

</sc_bundles>
